<compile_context>
chip_gen: v7x
topology: tpu7x:2x2x1
jax: 0.10.2.dev20260603
libtpu: 0.0.44.dev20260713+nightly
codegen_flags: <defaults>
</compile_context>

<pallas_src>
import functools

import jax
import jax.numpy as jnp
import numpy as np
from jax import lax
from jax.experimental import pallas as pl
from jax.experimental.pallas import tpu as pltpu
from jax.experimental.pallas import tpu_sc as plsc

_M = 4096
_K = 4096
_NNZ_PER_ROW = 409
_NNZ = _M * _NNZ_PER_ROW
_NCOL = 256

_NW = 32
_ROWS_PER_W = _M // _NW
_G = 16
_NG = _ROWS_PER_W // _G
_REG = _G * _K
_NNZ_G = _G * _NNZ_PER_ROW
_CH = 128
_NCH = (_NNZ_G + _CH - 1) // _CH
_PAD_G = _NCH * _CH
_ZW = 16384

_GRP_BASE = ((np.arange(_NNZ_G, dtype=np.int64) // _NNZ_PER_ROW)
             * _K).astype(np.int32)
_BASE_PAD = np.full((_NW, _NG, _PAD_G), 16 * _REG, dtype=np.int32)
_BASE_PAD[:, :, :_NNZ_G] = (_GRP_BASE[None, None, :]
                            + (np.arange(_NW, dtype=np.int32) // 2
                               * _REG)[:, None, None])

_TM = 256


def _densify(vals_flat, idx3):
    mesh = plsc.VectorSubcoreMesh(core_axis_name="c", subcore_axis_name="s")

    @functools.partial(
        pl.kernel,
        out_type=jax.ShapeDtypeStruct((_M, _K), jnp.float32),
        mesh=mesh,
        scratch_types=[
            pltpu.VMEM_SHARED((16 * _REG + 8,), jnp.float32),
            pltpu.VMEM((_PAD_G,), jnp.int32),
            pltpu.VMEM((_PAD_G,), jnp.float32),
            pltpu.VMEM((_ZW,), jnp.float32),
            pltpu.SemaphoreType.DMA,
            pltpu.SemaphoreType.DMA,
            pltpu.SemaphoreType.DMA,
        ],
    )
    def k(zeros_hbm, vals_hbm, idx_hbm, w_hbm, shared, idx_v, vals_v, zero_v,
          zsem, ssem, osem):
        c = lax.axis_index("c")
        s = lax.axis_index("s")
        wid = s * 2 + c
        base = s * _REG
        row_base = wid * _ROWS_PER_W
        nnz_base = wid * (_NG * _NNZ_G)

        pltpu.sync_copy(zeros_hbm, zero_v)

        def drain_out(g):
            def d(i, carry):
                pltpu.make_async_copy(shared.at[pl.ds(base + i * _K, _K)],
                                      w_hbm.at[row_base + g * _G + i],
                                      osem).wait()
                return carry
            lax.fori_loop(0, _G, d, 0)

        def group(g, carry):
            @pl.when(g > 0)
            def _():
                drain_out(g - 1)

            def zf(z, carry2):
                pltpu.async_copy(zero_v, shared.at[pl.ds(base + z * _ZW, _ZW)],
                                 zsem)
                return carry2

            lax.fori_loop(0, _REG // _ZW, zf, 0)
            pltpu.sync_copy(idx_hbm.at[wid, g], idx_v)
            pltpu.sync_copy(vals_hbm.at[pl.ds(nnz_base + g * _NNZ_G, _PAD_G)],
                            vals_v)

            def zd(z, carry2):
                pltpu.make_async_copy(zero_v,
                                      shared.at[pl.ds(base + z * _ZW, _ZW)],
                                      zsem).wait()
                return carry2

            lax.fori_loop(0, _REG // _ZW, zd, 0)

            pltpu.async_copy(vals_v, shared.at[idx_v], ssem, add=True)
            pltpu.make_async_copy(vals_v, shared.at[idx_v], ssem).wait()

            def of(i, carry2):
                pltpu.async_copy(shared.at[pl.ds(base + i * _K, _K)],
                                 w_hbm.at[row_base + g * _G + i], osem)
                return carry2

            lax.fori_loop(0, _G, of, 0)
            return carry

        lax.fori_loop(0, _NG, group, 0)
        drain_out(_NG - 1)

    return k(jnp.zeros((_ZW,), jnp.float32), vals_flat, idx3)


def _mm_body(w_ref, x_ref, b_ref, o_ref):
    o_ref[...] = jnp.dot(w_ref[...], x_ref[...],
                         preferred_element_type=jnp.float32) + b_ref[0:1, :]


def _matmul(w, x2, bias_flat):
    grid = (_M // _TM,)
    return pl.pallas_call(
        _mm_body,
        grid=grid,
        in_specs=[
            pl.BlockSpec((_TM, _K), lambda m: (m, 0)),
            pl.BlockSpec((_K, _NCOL), lambda m: (0, 0)),
            pl.BlockSpec((8, _NCOL), lambda m: (0, 0)),
        ],
        out_specs=pl.BlockSpec((_TM, _NCOL), lambda m: (m, 0)),
        out_shape=jax.ShapeDtypeStruct((_M, _NCOL), jnp.float32),
    )(w, x2, bias_flat)


def kernel(x, values, row_indices, row_offsets, column_indices, bias):
    B, SEQ, K = x.shape
    cols_pad = jnp.pad(column_indices.reshape(_NW, _NG, _NNZ_G),
                       ((0, 0), (0, 0), (0, _PAD_G - _NNZ_G)))
    idx3 = jnp.asarray(_BASE_PAD) + cols_pad
    vals_flat = jnp.pad(values, (0, _CH))

    x2 = jnp.transpose(x, (2, 0, 1)).reshape(K, B * SEQ)
    bias_flat = jnp.broadcast_to(jnp.tile(bias, B)[None, :], (8, B * SEQ))

    W = _densify(vals_flat, idx3)
    out_flat = _matmul(W, x2, bias_flat)
    return jnp.transpose(out_flat.reshape(_M, B, SEQ), (1, 0, 2))

# --- scband reference (transcript-rebuilt; emitter-appended) ---
"""Pipeline reference for scband-sparse-linear-14903536517962 (READ-ONLY COPY).

The authoritative reference and input builder live on the scoring server;
editing this copy changes nothing except your own understanding.
"""

import jax, jax.numpy as jnp
import numpy as np

M = 4096  # output_features
K = 4096  # input_features
NNZ_PER_ROW = 409  # density ~0.1
NNZ = M * NNZ_PER_ROW
B = 4
SEQ = 64


def setup_inputs(seed: int = 0) -> dict:
    key = jax.random.key(seed)
    k1, k2, k3 = jax.random.split(key, 3)
    rng = np.random.default_rng(0)
    # CSR structure for the sparse weight [M, K]: fixed nnz per row, sorted column indices
    cols = np.sort(rng.integers(0, K, size=(M, NNZ_PER_ROW)), axis=1).astype(np.int32).reshape(-1)
    row_offsets = (np.arange(M + 1) * NNZ_PER_ROW).astype(np.int32)
    # diffsort(row_offsets): row scheduling order by descending row length (sputnik load-balance hint)
    diffs = (row_offsets - np.roll(row_offsets, -1))[:-1]
    row_indices = np.argsort(-diffs, kind='stable').astype(np.int32)
    values = jax.random.normal(k1, (NNZ,), dtype=jnp.float32) * 0.02
    x = jax.random.normal(k2, (B, SEQ, K), dtype=jnp.float32)
    bias = jax.random.normal(k3, (SEQ,), dtype=jnp.float32) * 0.01
    return {
        "x": x,
        "values": values,
        "row_indices": jnp.asarray(row_indices),
        "row_offsets": jnp.asarray(row_offsets),
        "column_indices": jnp.asarray(cols),
        "bias": bias,
    }


def reference(x, values, row_indices, row_offsets, column_indices, bias):
    # SparseLinear.forward: left_spmm(M, K, csr_weight, x.transpose(1,2)) + bias
    nnz = values.shape[0]
    # expand CSR row offsets to per-nnz row ids
    row_ids = jnp.searchsorted(row_offsets, jnp.arange(nnz), side='right') - 1
    # scatter-add CSR values into dense weight (duplicates sum, matching spmm semantics)
    W = jnp.zeros((M, K), dtype=jnp.float32).at[row_ids, column_indices].add(values)
    dense = jnp.transpose(x, (0, 2, 1))  # [B, K, SEQ] == x.transpose(1, 2).contiguous()
    out = jnp.einsum('mk,bkn->bmn', W, dense) + bias[None, None, :]  # [B, M, SEQ]
    return out

if __name__ == "__main__":
    import jax
    _d = setup_inputs()
    print(jax.jit(kernel)(*tuple(_d.values())))

</pallas_src>

<mosaic_0001>
#map = affine_map<(d0, d1) -> (0)>
#map1 = affine_map<(d0, d1) -> (0, 0, 0)>
#map2 = affine_map<(d0, d1) -> (0, 0)>
module attributes {stable_mosaic.version = 14 : i64} {
  func.func @k(%arg0: i32, %arg1: i32, %arg2: memref<16384xf32, #tpu.memory_space<hbm>>, %arg3: memref<1675392xf32, #tpu.memory_space<hbm>>, %arg4: memref<32x8x6656xi32, #tpu.memory_space<hbm>>, %arg5: memref<4096x4096xf32, #tpu.memory_space<hbm>>, %arg6: memref<1048584xf32, #tpu.memory_space<vmem_shared>>, %arg7: memref<6656xi32, #tpu.memory_space<vmem>>, %arg8: memref<6656xf32, #tpu.memory_space<vmem>>, %arg9: memref<16384xf32, #tpu.memory_space<vmem>>, %arg10: memref<!tpu.dma_semaphore, #tpu.memory_space<semaphore_mem>>, %arg11: memref<!tpu.dma_semaphore, #tpu.memory_space<semaphore_mem>>, %arg12: memref<!tpu.dma_semaphore, #tpu.memory_space<semaphore_mem>>) attributes {dimension_semantics = [#tpu.dimension_semantics<core_parallel>, #tpu.dimension_semantics<subcore_parallel>], iteration_bounds = array<i64: 2, 16>, scalar_prefetch = 0 : i64, scratch_operands = 7 : i64, tpu.core_type = #tpu.core_type<sc_vector_subcore>, window_params = [{transform_indices = #map}, {transform_indices = #map}, {transform_indices = #map1}, {transform_indices = #map2}]} {
    %mul3A = arith.constant 2 : i32
    %mul3A_0 = arith.muli %arg1, %mul3A : i32
    %add3A = arith.addi %mul3A_0, %arg0 : i32
    %mul3A_1 = arith.constant 65536 : i32
    %mul3A_2 = arith.muli %arg1, %mul3A_1 : i32
    %mul3A_3 = arith.constant 128 : i32
    %mul3A_4 = arith.muli %add3A, %mul3A_3 : i32
    %mul3A_5 = arith.constant 52352 : i32
    %mul3A_6 = arith.muli %add3A, %mul3A_5 : i32
    "tpu.region"() ({
      %run_scoped3A = tpu.sem_alloc : memref<!tpu.dma_semaphore, #tpu.memory_space<semaphore_mem>>
      tpu.enqueue_dma source(%arg2 : memref<16384xf32, #tpu.memory_space<hbm>>) target(%arg9 : memref<16384xf32, #tpu.memory_space<vmem>>) target_semaphore(%run_scoped3A : memref<!tpu.dma_semaphore, #tpu.memory_space<semaphore_mem>>)
      tpu.wait_dma2 semaphore(%run_scoped3A : memref<!tpu.dma_semaphore, #tpu.memory_space<semaphore_mem>>) src(%arg2 : memref<16384xf32, #tpu.memory_space<hbm>>) dst(%arg9 : memref<16384xf32, #tpu.memory_space<vmem>>)
      tpu.yield
    }) : () -> ()
    %scan3A = arith.constant 0 : i32
    %scan3A_7 = arith.constant 0 : i32
    %scan3A_8 = arith.constant 8 : i32
    %scan3A_9 = arith.addi %scan3A_7, %scan3A_8 : i32
    %scan3A_10 = arith.constant 1 : i32
    scf.for %scan3A_18 = %scan3A_7 to %scan3A_9 step %scan3A_10  : i32 {
      %gt3A = arith.constant 0 : i32
      %gt3A_19 = arith.cmpi sgt, %scan3A_18, %gt3A : i32
      %convert_element_type3A = arith.extui %gt3A_19 : i1 to i32
      %cond3A = arith.constant 0 : i32
      %cond3A_20 = arith.cmpi ne, %convert_element_type3A, %cond3A : i32
      scf.if %cond3A_20 {
        %sub3A = arith.constant 1 : i32
        %sub3A_44 = arith.subi %scan3A_18, %sub3A : i32
        %scan3A_45 = arith.constant 0 : i32
        %scan3A_46 = arith.constant 0 : i32
        %scan3A_47 = arith.constant 16 : i32
        %scan3A_48 = arith.addi %scan3A_46, %scan3A_47 : i32
        %scan3A_49 = arith.constant 1 : i32
        scf.for %scan3A_51 = %scan3A_46 to %scan3A_48 step %scan3A_49  : i32 {
          %mul3A_52 = arith.constant 4096 : i32
          %mul3A_53 = arith.muli %scan3A_51, %mul3A_52 : i32
          %add3A_54 = arith.addi %mul3A_2, %mul3A_53 : i32
          %mul3A_55 = arith.constant 16 : i32
          %mul3A_56 = arith.muli %sub3A_44, %mul3A_55 : i32
          %add3A_57 = arith.addi %mul3A_4, %mul3A_56 : i32
          %add3A_58 = arith.addi %add3A_57, %scan3A_51 : i32
          %dma_wait3A_59 = arith.constant 0 : i32
          %dma_wait3A_60 = tpu.memref_slice %arg5[%add3A_58, %dma_wait3A_59] : memref<4096x4096xf32, #tpu.memory_space<hbm>> -> memref<1x4096xf32, #tpu.memory_space<hbm>>
          %dma_wait3A_61 = tpu.memref_squeeze %dma_wait3A_60 : memref<1x4096xf32, #tpu.memory_space<hbm>> -> memref<4096xf32, #tpu.memory_space<hbm>>
          %dma_wait3A_62 = tpu.memref_slice %arg6[%add3A_54] : memref<1048584xf32, #tpu.memory_space<vmem_shared>> -> memref<4096xf32, #tpu.memory_space<vmem_shared>>
          tpu.wait_dma2 semaphore(%arg12 : memref<!tpu.dma_semaphore, #tpu.memory_space<semaphore_mem>>) src(%dma_wait3A_62 : memref<4096xf32, #tpu.memory_space<vmem_shared>>) dst(%dma_wait3A_61 : memref<4096xf32, #tpu.memory_space<hbm>>)
        }
        %scan3A_50 = arith.constant 16 : i32
      } else {
      }
      %scan3A_21 = arith.constant 0 : i32
      %scan3A_22 = arith.constant 0 : i32
      %scan3A_23 = arith.constant 4 : i32
      %scan3A_24 = arith.addi %scan3A_22, %scan3A_23 : i32
      %scan3A_25 = arith.constant 1 : i32
      scf.for %scan3A_44 = %scan3A_22 to %scan3A_24 step %scan3A_25  : i32 {
        %mul3A_45 = arith.constant 16384 : i32
        %mul3A_46 = arith.muli %scan3A_44, %mul3A_45 : i32
        %add3A_47 = arith.addi %mul3A_2, %mul3A_46 : i32
        %dma_start3A_48 = tpu.memref_slice %arg6[%add3A_47] : memref<1048584xf32, #tpu.memory_space<vmem_shared>> -> memref<16384xf32, #tpu.memory_space<vmem_shared>>
        %dma_start3A_49 = tpu.memref_slice %arg6[%add3A_47] : memref<1048584xf32, #tpu.memory_space<vmem_shared>> -> memref<16384xf32, #tpu.memory_space<vmem_shared>>
        tpu.enqueue_dma source(%arg9 : memref<16384xf32, #tpu.memory_space<vmem>>) target(%dma_start3A_49 : memref<16384xf32, #tpu.memory_space<vmem_shared>>) target_semaphore(%arg10 : memref<!tpu.dma_semaphore, #tpu.memory_space<semaphore_mem>>)
      }
      %scan3A_26 = arith.constant 4 : i32
      "tpu.region"() ({
        %run_scoped3A = tpu.sem_alloc : memref<!tpu.dma_semaphore, #tpu.memory_space<semaphore_mem>>
        %dma_start3A_44 = arith.constant 0 : i32
        %dma_start3A_45 = tpu.memref_slice %arg4[%add3A, %scan3A_18, %dma_start3A_44] : memref<32x8x6656xi32, #tpu.memory_space<hbm>> -> memref<1x1x6656xi32, #tpu.memory_space<hbm>>
        %dma_start3A_46 = tpu.memref_squeeze %dma_start3A_45 : memref<1x1x6656xi32, #tpu.memory_space<hbm>> -> memref<6656xi32, #tpu.memory_space<hbm>>
        %dma_start3A_47 = arith.constant 0 : i32
        %dma_start3A_48 = tpu.memref_slice %arg4[%add3A, %scan3A_18, %dma_start3A_47] : memref<32x8x6656xi32, #tpu.memory_space<hbm>> -> memref<1x1x6656xi32, #tpu.memory_space<hbm>>
        %dma_start3A_49 = tpu.memref_squeeze %dma_start3A_48 : memref<1x1x6656xi32, #tpu.memory_space<hbm>> -> memref<6656xi32, #tpu.memory_space<hbm>>
        tpu.enqueue_dma source(%dma_start3A_49 : memref<6656xi32, #tpu.memory_space<hbm>>) target(%arg7 : memref<6656xi32, #tpu.memory_space<vmem>>) target_semaphore(%run_scoped3A : memref<!tpu.dma_semaphore, #tpu.memory_space<semaphore_mem>>)
        %dma_wait3A_50 = arith.constant 0 : i32
        %dma_wait3A_51 = tpu.memref_slice %arg4[%add3A, %scan3A_18, %dma_wait3A_50] : memref<32x8x6656xi32, #tpu.memory_space<hbm>> -> memref<1x1x6656xi32, #tpu.memory_space<hbm>>
        %dma_wait3A_52 = tpu.memref_squeeze %dma_wait3A_51 : memref<1x1x6656xi32, #tpu.memory_space<hbm>> -> memref<6656xi32, #tpu.memory_space<hbm>>
        %dma_wait3A_53 = arith.constant 0 : i32
        %dma_wait3A_54 = tpu.memref_slice %arg4[%add3A, %scan3A_18, %dma_wait3A_53] : memref<32x8x6656xi32, #tpu.memory_space<hbm>> -> memref<1x1x6656xi32, #tpu.memory_space<hbm>>
        %dma_wait3A_55 = tpu.memref_squeeze %dma_wait3A_54 : memref<1x1x6656xi32, #tpu.memory_space<hbm>> -> memref<6656xi32, #tpu.memory_space<hbm>>
        tpu.wait_dma2 semaphore(%run_scoped3A : memref<!tpu.dma_semaphore, #tpu.memory_space<semaphore_mem>>) src(%dma_wait3A_55 : memref<6656xi32, #tpu.memory_space<hbm>>) dst(%arg7 : memref<6656xi32, #tpu.memory_space<vmem>>)
        tpu.yield
      }) : () -> ()
      %mul3A_27 = arith.constant 6544 : i32
      %mul3A_28 = arith.muli %scan3A_18, %mul3A_27 : i32
      %add3A_29 = arith.addi %mul3A_6, %mul3A_28 : i32
      "tpu.region"() ({
        %run_scoped3A = tpu.sem_alloc : memref<!tpu.dma_semaphore, #tpu.memory_space<semaphore_mem>>
        %dma_start3A_44 = tpu.memref_slice %arg3[%add3A_29] : memref<1675392xf32, #tpu.memory_space<hbm>> -> memref<6656xf32, #tpu.memory_space<hbm>>
        %dma_start3A_45 = tpu.memref_slice %arg3[%add3A_29] : memref<1675392xf32, #tpu.memory_space<hbm>> -> memref<6656xf32, #tpu.memory_space<hbm>>
        tpu.enqueue_dma source(%dma_start3A_45 : memref<6656xf32, #tpu.memory_space<hbm>>) target(%arg8 : memref<6656xf32, #tpu.memory_space<vmem>>) target_semaphore(%run_scoped3A : memref<!tpu.dma_semaphore, #tpu.memory_space<semaphore_mem>>)
        %dma_wait3A_46 = tpu.memref_slice %arg3[%add3A_29] : memref<1675392xf32, #tpu.memory_space<hbm>> -> memref<6656xf32, #tpu.memory_space<hbm>>
        %dma_wait3A_47 = tpu.memref_slice %arg3[%add3A_29] : memref<1675392xf32, #tpu.memory_space<hbm>> -> memref<6656xf32, #tpu.memory_space<hbm>>
        tpu.wait_dma2 semaphore(%run_scoped3A : memref<!tpu.dma_semaphore, #tpu.memory_space<semaphore_mem>>) src(%dma_wait3A_47 : memref<6656xf32, #tpu.memory_space<hbm>>) dst(%arg8 : memref<6656xf32, #tpu.memory_space<vmem>>)
        tpu.yield
      }) : () -> ()
      %scan3A_30 = arith.constant 0 : i32
      %scan3A_31 = arith.constant 0 : i32
      %scan3A_32 = arith.constant 4 : i32
      %scan3A_33 = arith.addi %scan3A_31, %scan3A_32 : i32
      %scan3A_34 = arith.constant 1 : i32
      scf.for %scan3A_44 = %scan3A_31 to %scan3A_33 step %scan3A_34  : i32 {
        %mul3A_45 = arith.constant 16384 : i32
        %mul3A_46 = arith.muli %scan3A_44, %mul3A_45 : i32
        %add3A_47 = arith.addi %mul3A_2, %mul3A_46 : i32
        %dma_wait3A_48 = tpu.memref_slice %arg6[%add3A_47] : memref<1048584xf32, #tpu.memory_space<vmem_shared>> -> memref<16384xf32, #tpu.memory_space<vmem_shared>>
        %dma_wait3A_49 = tpu.memref_slice %arg6[%add3A_47] : memref<1048584xf32, #tpu.memory_space<vmem_shared>> -> memref<16384xf32, #tpu.memory_space<vmem_shared>>
        tpu.wait_dma2 semaphore(%arg10 : memref<!tpu.dma_semaphore, #tpu.memory_space<semaphore_mem>>) src(%arg9 : memref<16384xf32, #tpu.memory_space<vmem>>) dst(%dma_wait3A_49 : memref<16384xf32, #tpu.memory_space<vmem_shared>>)
      }
      %scan3A_35 = arith.constant 4 : i32
      %dma_start3A = arith.constant 0 : i32
      %dma_start3A_36 = tpu.memref_slice %arg6[%dma_start3A] : memref<1048584xf32, #tpu.memory_space<vmem_shared>> -> memref<1048584xf32, #tpu.memory_space<vmem_shared>>
      tpu.enqueue_indirect_dma source(%arg8 : memref<6656xf32, #tpu.memory_space<vmem>>) target(%dma_start3A_36 : memref<1048584xf32, #tpu.memory_space<vmem_shared>>) offsets(%arg7 : memref<6656xi32, #tpu.memory_space<vmem>>) semaphore(%arg11 : memref<!tpu.dma_semaphore, #tpu.memory_space<semaphore_mem>>) {add = true}
      %dma_wait3A = arith.constant 0 : i32
      %dma_wait3A_37 = tpu.memref_slice %arg6[%dma_wait3A] : memref<1048584xf32, #tpu.memory_space<vmem_shared>> -> memref<1048584xf32, #tpu.memory_space<vmem_shared>>
      tpu.wait_indirect_dma semaphore(%arg11 : memref<!tpu.dma_semaphore, #tpu.memory_space<semaphore_mem>>) src(%arg8 : memref<6656xf32, #tpu.memory_space<vmem>>) dst(%dma_wait3A_37 : memref<1048584xf32, #tpu.memory_space<vmem_shared>>)
      %scan3A_38 = arith.constant 0 : i32
      %scan3A_39 = arith.constant 0 : i32
      %scan3A_40 = arith.constant 16 : i32
      %scan3A_41 = arith.addi %scan3A_39, %scan3A_40 : i32
      %scan3A_42 = arith.constant 1 : i32
      scf.for %scan3A_44 = %scan3A_39 to %scan3A_41 step %scan3A_42  : i32 {
        %mul3A_45 = arith.constant 4096 : i32
        %mul3A_46 = arith.muli %scan3A_44, %mul3A_45 : i32
        %add3A_47 = arith.addi %mul3A_2, %mul3A_46 : i32
        %mul3A_48 = arith.constant 16 : i32
        %mul3A_49 = arith.muli %scan3A_18, %mul3A_48 : i32
        %add3A_50 = arith.addi %mul3A_4, %mul3A_49 : i32
        %add3A_51 = arith.addi %add3A_50, %scan3A_44 : i32
        %dma_start3A_52 = arith.constant 0 : i32
        %dma_start3A_53 = tpu.memref_slice %arg5[%add3A_51, %dma_start3A_52] : memref<4096x4096xf32, #tpu.memory_space<hbm>> -> memref<1x4096xf32, #tpu.memory_space<hbm>>
        %dma_start3A_54 = tpu.memref_squeeze %dma_start3A_53 : memref<1x4096xf32, #tpu.memory_space<hbm>> -> memref<4096xf32, #tpu.memory_space<hbm>>
        %dma_start3A_55 = tpu.memref_slice %arg6[%add3A_47] : memref<1048584xf32, #tpu.memory_space<vmem_shared>> -> memref<4096xf32, #tpu.memory_space<vmem_shared>>
        tpu.enqueue_dma source(%dma_start3A_55 : memref<4096xf32, #tpu.memory_space<vmem_shared>>) target(%dma_start3A_54 : memref<4096xf32, #tpu.memory_space<hbm>>) target_semaphore(%arg12 : memref<!tpu.dma_semaphore, #tpu.memory_space<semaphore_mem>>)
      }
      %scan3A_43 = arith.constant 16 : i32
    }
    %scan3A_11 = arith.constant 8 : i32
    %scan3A_12 = arith.constant 0 : i32
    %scan3A_13 = arith.constant 0 : i32
    %scan3A_14 = arith.constant 16 : i32
    %scan3A_15 = arith.addi %scan3A_13, %scan3A_14 : i32
    %scan3A_16 = arith.constant 1 : i32
    scf.for %scan3A_18 = %scan3A_13 to %scan3A_15 step %scan3A_16  : i32 {
      %mul3A_19 = arith.constant 4096 : i32
      %mul3A_20 = arith.muli %scan3A_18, %mul3A_19 : i32
      %add3A_21 = arith.addi %mul3A_2, %mul3A_20 : i32
      %add3A_22 = arith.constant 112 : i32
      %add3A_23 = arith.addi %mul3A_4, %add3A_22 : i32
      %add3A_24 = arith.addi %add3A_23, %scan3A_18 : i32
      %dma_wait3A = arith.constant 0 : i32
      %dma_wait3A_25 = tpu.memref_slice %arg5[%add3A_24, %dma_wait3A] : memref<4096x4096xf32, #tpu.memory_space<hbm>> -> memref<1x4096xf32, #tpu.memory_space<hbm>>
      %dma_wait3A_26 = tpu.memref_squeeze %dma_wait3A_25 : memref<1x4096xf32, #tpu.memory_space<hbm>> -> memref<4096xf32, #tpu.memory_space<hbm>>
      %dma_wait3A_27 = tpu.memref_slice %arg6[%add3A_21] : memref<1048584xf32, #tpu.memory_space<vmem_shared>> -> memref<4096xf32, #tpu.memory_space<vmem_shared>>
      tpu.wait_dma2 semaphore(%arg12 : memref<!tpu.dma_semaphore, #tpu.memory_space<semaphore_mem>>) src(%dma_wait3A_27 : memref<4096xf32, #tpu.memory_space<vmem_shared>>) dst(%dma_wait3A_26 : memref<4096xf32, #tpu.memory_space<hbm>>)
    }
    %scan3A_17 = arith.constant 16 : i32
    return
  }
}

module attributes {stable_mosaic.version = 14 : i64} {
  func.func @_mm_body(%arg0: i32, %arg1: memref<256x4096xf32, #tpu.memory_space<vmem>>, %arg2: memref<4096x256xf32, #tpu.memory_space<vmem>>, %arg3: memref<8x256xf32, #tpu.memory_space<vmem>>, %arg4: memref<256x256xf32, #tpu.memory_space<vmem>>) attributes {dimension_semantics = [#tpu.dimension_semantics<arbitrary>], iteration_bounds = array<i64: 16>, scalar_prefetch = 0 : i64, scratch_operands = 0 : i64, tpu.core_type = #tpu.core_type<tc>, window_params = [{transform_indices = @transform_0, window_bounds = array<i64: 256, 4096>}, {pipeline_mode = #tpu.pipeline_mode<synchronous>, transform_indices = @transform_1, window_bounds = array<i64: 4096, 256>}, {pipeline_mode = #tpu.pipeline_mode<synchronous>, transform_indices = @transform_2, window_bounds = array<i64: 8, 256>}, {transform_indices = @transform_3, window_bounds = array<i64: 256, 256>}]} {
    %get3A = arith.constant 0 : index
    %get3A_0 = arith.constant 0 : index
    %get3A_1 = vector.load %arg1[%get3A, %get3A_0] : memref<256x4096xf32, #tpu.memory_space<vmem>>, vector<256x4096xf32>
    %get3A_2 = arith.constant 0 : index
    %get3A_3 = arith.constant 0 : index
    %get3A_4 = vector.load %arg2[%get3A_2, %get3A_3] : memref<4096x256xf32, #tpu.memory_space<vmem>>, vector<4096x256xf32>
    %dot_general3A = arith.constant dense<0.000000e+00> : vector<256x256xf32>
    %dot_general3A_5 = tpu.matmul %get3A_1, %get3A_4, %dot_general3A {dimension_numbers = #tpu.dot_dimension_numbers<[1], [0], [0], [1], [0, 0, 1, 1], [], []>, transpose_lhs_hint = false} : vector<256x4096xf32>, vector<4096x256xf32>, vector<256x256xf32> -> vector<256x256xf32>
    %get3A_6 = arith.constant 0 : index
    %get3A_7 = arith.constant 0 : index
    %get3A_8 = vector.load %arg3[%get3A_6, %get3A_7] : memref<8x256xf32, #tpu.memory_space<vmem>>, vector<1x256xf32>
    %add3A = vector.broadcast %get3A_8 : vector<1x256xf32> to vector<256x256xf32>
    %add3A_9 = arith.addf %dot_general3A_5, %add3A : vector<256x256xf32>
    %swap3A = arith.constant 0 : index
    %swap3A_10 = arith.constant 0 : index
    %swap3A_11 = vector.load %arg4[%swap3A, %swap3A_10] : memref<256x256xf32, #tpu.memory_space<vmem>>, vector<256x256xf32>
    tpu.vector_store %arg4[%swap3A, %swap3A_10], %add3A_9 {strides = array<i32>} : memref<256x256xf32, #tpu.memory_space<vmem>>, vector<256x256xf32>,
    return
  }
  func.func @transform_0(%arg0: i32) -> (i32, i32) {
    %c0_i32 = arith.constant 0 : i32
    %c0_i32_0 = arith.constant 0 : i32
    return %arg0, %c0_i32 : i32, i32
  }
  func.func @transform_1(%arg0: i32) -> (i32, i32) {
    %c0_i32 = arith.constant 0 : i32
    %c0_i32_0 = arith.constant 0 : i32
    %c0_i32_1 = arith.constant 0 : i32
    return %c0_i32, %c0_i32_0 : i32, i32
  }
  func.func @transform_2(%arg0: i32) -> (i32, i32) {
    %c0_i32 = arith.constant 0 : i32
    %c0_i32_0 = arith.constant 0 : i32
    %c0_i32_1 = arith.constant 0 : i32
    return %c0_i32, %c0_i32_0 : i32, i32
  }
  func.func @transform_3(%arg0: i32) -> (i32, i32) {
    %c0_i32 = arith.constant 0 : i32
    %c0_i32_0 = arith.constant 0 : i32
    return %arg0, %c0_i32 : i32, i32
  }
}

</mosaic_0001>

<sc_bundles>
// kernel: kernel.4.cloned.1.call-start
scs
__scs_entry_jumppad:
0x0: {  	(pc) =	sbr.rel $0x88, $3  }
0x1: {  	(tag) =	ssettag $0x0;
	lr =	simm.s32 $0x1  }
0x2: {  	[smem:$0x3F9D] =	sst lr;
	_ =	strace $0xD0000000  }
0x3: {  	_ = 	snop  }
0x4: {  	_ = 	snop  }
0x5: {  	_ = 	snop  }
0x6: {  	_ = 	snop  }
0x7: {  	_ = 	snop  }
__scs_overlays_trampoline_lowered:
0x8: {  	[smem:$0x3FAC] =	sst s0  }
0x9: {  	[smem:$0x3FAD] =	sst s1  }
0xa: {  	[smem:$0x3FAE] =	sst s2  }
0xb: {  	[smem:$0x3FAF] =	sst s3  }
0xc: {  	[smem:$0x3FB0] =	sst s4  }
0xd: {  	[smem:$0x3FB1] =	sst s5  }
0xe: {  	[smem:$0x3FB2] =	sst s6  }
0xf: {  	[smem:$0x3FB3] =	sst s7  }
0x10: {  	[smem:$0x3FB4] =	sst s8  }
0x11: {  	[smem:$0x3FB5] =	sst s9;
	s0 =	simm.s32 @!p0 $0x0  }
0x12: {  	s1 =	sld [smem:$0x3F9B];
	s0 =	simm.s32 @p0 $0x1  }
0x13: {  	[smem:$0x3FB6] =	sst s0;
	s0 =	simm.s32 @!p1 $0x0  }
0x14: {  	s2 =	sld [smem:$0x3F9A];
	s0 =	simm.s32 @p1 $0x1  }
0x15: {  	[smem:$0x3FB7] =	sst s0;
	s0 =	simm.s32 @!p2 $0x0  }
0x16: {  	s3 =	sld [smem:$0x3FDB];
	s0 =	simm.s32 @p2 $0x1  }
0x17: {  	s4 =	simm.s32 $0x1BF5;
	[smem:$0x3FB9] =	sst s0  }
0x18: {  	s0 =	sld [smem:$0x3F9C];
	_ =	swait.ge [sflag:s4], $0x0  }
0x19: {  	s7 =	sld [smem:$0x3F9D]  }
0x1a: {  	s8 =	sadd.s32 $0xFFFFE003, lr  }
0x1b: {  	s9 =	sadd.s32 $0xFFFFFEF7, lr;
	s5 =	simm.s32 $0xFFFFFFFF;
	p2 =	slt.u32 s8, $0xFFFFF086  }
0x1c: {  	p1 =	slt.u32 s9, $0xF7A;
	s5 =	simm.s32 @!p2 $0x0  }
0x1d: {  	s5 =	simm.s32 @p1 $0x1;
	p0 =	seq.s32 s7, s2  }
0x1e: {  	s7 =	smul.u32 @!p0 $0xF7A, s2;
	p2 =	seq.s32 @!p0 s5, $0x0  }
0x1f: {  	s9 =	smul.u32 $0xF7A, s1;
	s8 =	simm.s32 @!p0 $0x1BF5;
	p2 =	por !p2, p0  }
0x20: {  	[sflag:s8] =	ssyncset.s32 @!p0 $0xFFFFF086;
	s6 =	sadd.s32 @!p0 s3, s7;
	s7 =	simm.s32 @!p0 $0x108  }
0x21: {  	s3 =	sadd.s32 s3, s9;
	s6 =	sadd.s32 @!p0 $0x88, s6;
	s7 =	simm.s32 @p2 $0x1082  }
0x22: {  	[simem:s7], [sflag:s8] =	dma.local @!p0 [hbm:s6], $0xF7A  }
0x23: {  	s9 =	sor.u32 $0xD0000000, s2;
	s6 =	simm.s32 $0x108;
	_ =	swait.ge @!p0 [sflag:s8], $0x0  }
0x24: {  	s3 =	sadd.s32 $0x88, s3;
	s6 =	simm.s32 @!p1 $0x1082;
	[sflag:s4] =	ssyncset.s32 $0xFFFFF086  }
0x25: {  	[simem:s6], [sflag:s4] =	dma.local [hbm:s3], $0xF7A  }
0x26: {  	[smem:$0x3F9D] =	sst s1;
	(tag) =	ssettag s2;
	_ =	strace s9  }
0x27: {  	s1 =	sld [smem:$0x3FAD]  }
0x28: {  	s2 =	sld [smem:$0x3FAE]  }
0x29: {  	s4 =	sld [smem:$0x3FB0]  }
0x2a: {  	p0 =	seq.s32 s5, $0x0;
	s5 =	sld [smem:$0x3FB1]  }
0x2b: {  	s6 =	sld [smem:$0x3FB2]  }
0x2c: {  	s7 =	sld [smem:$0x3FB3]  }
0x2d: {  	s3 =	simm.s32 $0x108;
	s8 =	sld [smem:$0x3FB4]  }
0x2e: {  	s3 =	simm.s32 @!p0 $0x1082;
	s9 =	sld [smem:$0x3FB5]  }
0x2f: {  	lr =	sadd.s32 s0, s3;
	s0 =	sld [smem:$0x3FAC]  }
0x30: {  	s3 =	sld [smem:$0x3FAF]  }
0x31: {  	[smem:$0x3FB8] =	sst s10  }
0x32: {  	s10 =	sld [smem:$0x3FB6];
	_ =	sdelay $0x3  }
0x33: {  	p0 =	seq.s32 s10, $0x1;
	s10 =	sld [smem:$0x3FB8];
	_ =	sdelay $0x3  }
0x34: {  	[smem:$0x3FB8] =	sst s10  }
0x35: {  	s10 =	sld [smem:$0x3FB7];
	_ =	sdelay $0x3  }
0x36: {  	p1 =	seq.s32 s10, $0x1;
	s10 =	sld [smem:$0x3FB8];
	_ =	sdelay $0x3  }
0x37: {  	[smem:$0x3FB8] =	sst s10  }
0x38: {  	s10 =	sld [smem:$0x3FB9]  }
0x39: {  	_ = 	snop;
	(pc) =	sbr.ind lr, $3  }
0x3a: {  	_ = 	snop  }
0x3b: {  	_ = 	snop  }
0x3c: {  	p2 =	seq.s32 s10, $0x1;
	s10 =	sld [smem:$0x3FB8]  }
0x3d: {  	_ =	shalt  }
0x3e: {  	_ =	shalt  }
0x3f: {  	_ =	shalt  }
0x40: {  	_ =	shalt  }
0x41: {  	_ =	shalt  }
0x42: {  	_ =	shalt  }
0x43: {  	_ =	shalt  }
0x44: {  	_ =	shalt  }
0x45: {  	_ =	shalt  }
0x46: {  	_ =	shalt  }
0x47: {  	_ =	shalt  }
0x48: {  	_ =	shalt  }
0x49: {  	_ =	shalt  }
0x4a: {  	_ =	shalt  }
0x4b: {  	_ =	shalt  }
0x4c: {  	_ =	shalt  }
0x4d: {  	_ =	shalt  }
0x4e: {  	_ =	shalt  }
0x4f: {  	_ =	shalt  }
0x50: {  	_ =	shalt  }
0x51: {  	_ =	shalt  }
0x52: {  	_ =	shalt  }
0x53: {  	_ =	shalt  }
0x54: {  	_ =	shalt  }
0x55: {  	_ =	shalt  }
0x56: {  	_ =	shalt  }
0x57: {  	_ =	shalt  }
0x58: {  	_ =	shalt  }
0x59: {  	_ =	shalt  }
0x5a: {  	_ =	shalt  }
0x5b: {  	_ =	shalt  }
0x5c: {  	_ =	shalt  }
0x5d: {  	_ =	shalt  }
0x5e: {  	_ =	shalt  }
0x5f: {  	_ =	shalt  }
0x60: {  	_ =	shalt  }
0x61: {  	_ =	shalt  }
0x62: {  	_ =	shalt  }
0x63: {  	_ =	shalt  }
0x64: {  	_ =	shalt  }
0x65: {  	_ =	shalt  }
0x66: {  	_ =	shalt  }
0x67: {  	_ =	shalt  }
0x68: {  	_ =	shalt  }
0x69: {  	_ =	shalt  }
0x6a: {  	_ =	shalt  }
0x6b: {  	_ =	shalt  }
0x6c: {  	_ =	shalt  }
0x6d: {  	_ =	shalt  }
0x6e: {  	_ =	shalt  }
0x6f: {  	_ =	shalt  }
0x70: {  	_ =	shalt  }
0x71: {  	_ =	shalt  }
0x72: {  	_ =	shalt  }
0x73: {  	_ =	shalt  }
0x74: {  	_ =	shalt  }
0x75: {  	_ =	shalt  }
0x76: {  	_ =	shalt  }
0x77: {  	_ =	shalt  }
0x78: {  	_ =	shalt  }
0x79: {  	_ =	shalt  }
0x7a: {  	_ =	shalt  }
0x7b: {  	_ =	shalt  }
0x7c: {  	_ =	shalt  }
0x7d: {  	_ =	shalt  }
0x7e: {  	_ =	shalt  }
0x7f: {  	_ =	shalt  }
0x80: {  	_ =	shalt  }
0x81: {  	_ =	shalt  }
0x82: {  	_ =	shalt  }
0x83: {  	_ =	shalt  }
0x84: {  	_ =	shalt  }
0x85: {  	_ =	shalt  }
0x86: {  	_ =	shalt  }
0x87: {  	_ =	shalt  }
.Lfunc_end0:
.L_simem_size_0:
called_computation_lowered:
.L_overlay_start_0:
0x88: {  	s2 =	sld [smem:$0x3FD9]  }
0x89: {  	s3 =	sld [smem:$0x3FFE];
	_ =	sdelay $0x1  }
0x8a: {  	s1 =	srdreg.scid  }
0x8b: {  	s0 =	sand.u32 $0x1, s1  }
0x8c: {  	s17 =	sshll.u32 s0, $0xA;
	s2 =	sadd.s32 s3, s2  }
0x8d: {  	s2 =	sadd.s32 s2, s17  }
0x8e: {  	[smem:$0x3FC4] =	sst s2  }
0x8f: {  	_ = 	snop  }
0x90: {  	s2 =	sld [smem:$0x3FD0];
	(tm) =	ssettm $0x1  }
0x91: {  	s18 =	sld [smem:$0x3FFB];
	_ =	sdelay $0x3  }
0x92: {  	_ =	strace s18  }
0x93: {  	s3 =	sld [smem:$0x3FFC];
	_ =	sdelay $0x3  }
0x94: {  	_ =	strace s3  }
0x95: {  	s3 =	sld [smem:$0x3FFD];
	_ =	sdelay $0x3  }
0x96: {  	_ =	strace s3  }
0x97: {  	_ =	strace $0x8FFFFFFF  }
0x98: {  	s19 =	sld [smem:$0x3FDB];
	_ =	sdelay $0x1  }
0x99: {  	s4 =	simm.s32 $_scs_section_size  }
0x9a: {  	s5 =	simm.s32 $_size__tile_overlayer_lowered;
	s6 =	simm.s32 $_tile_overlayer_lowered  }
0x9b: {  	s22 =	simm.s32 $0x1BFF;
	s21 =	sshll.u32 s6, $0x1;
	s3 =	sadd.s32 s4, s19  }
0x9c: {  	s7 =	simm.s32 $0x0;
	s20 =	sshll.u32 s5, $0x1;
	s5 =	sadd.s32 s21, s3  }
0x9d: {  	[timem:s7], [sflag:s22] =	dma.local [hbm:s5], s20  }
0x9e: {  	_ =	swait.ge [sflag:s22], s20  }
0x9f: {  	s4 =	ssub.s32 $0x0, s20;
	[sflag:s22] =	ssyncset.done $0x0  }
0xa0: {  	[sflag:s22] =	ssyncadd.s32 s4;
	_ =	sdelay $0x1  }
0xa1: {  	s23 =	simm.s32 $0x1B8B  }
0xa2: {  	_ =	swait.ge [sflag:s23], $0x1  }
0xa3: {  	[sflag:s23] =	ssyncset.done $0x0  }
0xa4: {  	s25 =	simm.s32 $0x1B8E;
	s24 =	sld [smem:$0x3FFE];
	[sflag:s23] =	ssyncadd.s32 $0xFFFFFFFF  }
0xa5: {  	s26 =	simm.s32 $execute0_lowered;
	[smem:$0x3FD2] =	sst s25  }
0xa6: {  	s5 =	sshll.u32 s26, $0x1;
	_ =	strace $0x80000046;
	[dreg:$0x1] =	wrdreg $0xFFFFFFFF  }
0xa7: {  	s28 =	simm.s32 $_size_execute0_lowered;
	s3 =	sadd.s32 s3, s5;
	[dreg:$0x0] =	wrdreg $0x0  }
0xa8: {  	s5 =	sshll.u32 s28, $0x1;
	[dreg:$0x2] =	wrdreg s3  }
0xa9: {  	[dreg:$0x3] =	wrdreg s5  }
0xaa: {  	[dreg:$0x4] =	wrdreg $0xC0  }
0xab: {  	_ =	task [dreg:s7], $0x5FFFF  }
0xac: {  	[dreg:$0x1] =	wrdreg $0xFFFFFFFF  }
0xad: {  	[dreg:$0x0] =	wrdreg $0x60  }
0xae: {  	[dreg:$0x2] =	wrdreg s2  }
0xaf: {  	[dreg:$0x3] =	wrdreg s24  }
0xb0: {  	[dreg:$0x4] =	wrdreg $0x0  }
0xb1: {  	[dreg:$0x5] =	wrdreg $0x9  }
0xb2: {  	_ =	task.clear_ibuf [dreg:s7], $0x6FFFF;
	_ =	strace $0x90000046  }
0xb3: {  	s29 =	simm.s32 $0x9;
	_ =	strace $0x80000048  }
0xb4: {  	_ =	swait.ge [sflag:s29], $0x1  }
0xb5: {  	[sflag:s29] =	ssyncadd.s32 $0xFFFFFFFF  }
0xb6: {  	_ =	strace $0x90000048  }
0xb7: {  	_ =	sfence  }
0xb8: {  	s30 =	sld [smem:$0x0];
	_ =	sdelay $0x2  }
0xb9: {  	s31 =	sshll.u32 s1, $0xD;
	s1 =	sshrl.u32 s1, $0x2  }
0xba: {  	s3 =	sand.u32 $0x4000, s31;
	s1 =	sadd.s32 s1, s30  }
0xbb: {  	s0 =	sor.u32 s3, s0;
	s1 =	sshll.u32 s1, $0x11  }
0xbc: {  	s0 =	sor.u32 s1, s0  }
0xbd: {  	s0 =	sadd.s32 $0x8F2B, s0  }
0xbe: {  	[sflag:s0] =	ssyncadd.remote.s32 $0x1  }
0xbf: {  	_ =	sfence.sel $0xFFFF  }
0xc0: {  	[dreg:$0x0] =	wrdreg $0xFFFFFFFF;
	(pc) =	sbr.abs _section_cstart, $3  }
0xc1: {  	[dreg:$0x1] =	wrdreg $0xFFFFFFFF  }
0xc2: {  	_ =	task.clear_ibuf [dreg:s7], $0x2FFFF;
	_ =	strace $0x9FFFFFFF  }
0xc3: {  	(tm) =	ssettm $0x7FFFFFFF  }
tec
execute0_lowered:
.L_overlay_start_1:
0x0: {  	(tag) =	ssettag $0x1  }
0x1: {  	s0 =	rddreg [dreg:$0x1]  }
0x2: {  	s2 =	rddreg [dreg:$0x2];
	s1 =	simm.s32 $0x0  }
0x3: {  	s23 =	srdreg.scid;
	s3 =	stileid.u32;
	s16 =	simm.s32 $0x13408  }
0x4: {  	s17 =	simm.s32 $0x4;
	s18 =	simm.s32 $0x80;
	s19 =	simm.s32 $0x400  }
0x5: {  	s20 =	simm.s32 $0x10008;
	s21 =	simm.s32 $0x11A08;
	s22 =	simm.s32 $0x1  }
0x6: {  	s28 =	simm.s32 $0x3;
	s29 =	simm.s32 $0x0;
	[smem:$0x7FF] =	sst s1  }
0x7: {  	s5 =	sadd.s32 $0x35800, s0;
	s6 =	sadd.s32 $0x1800, s0;
	s4 =	sand.u32 $0x1, s23  }
0x8: {  	s24 =	sshll.u32 s3, $0x1;
	s7 =	sadd.s32 $0x68C00, s0;
	s10 =	sshll.u32 s3, $0x10  }
0x9: {  	s30 =	sshll.u32 s3, $0x11;
	s31 =	sshll.u32 s3, $0x6;
	s23 =	simm.s32 $0x1A00  }
0xa: {  	_ =	strace $0x80000047;
	s25 =	ssub.s32 $0x2, s4;
	s9 =	sor.u32 s4, s24  }
0xb: {  	s1 =	sadd.s32 s10, s2;
	s4 =	sshll.u32 s4, $0x10;
	s8 =	smul.u32 $0xCC80, s9  }
0xc: {  	s24 =	simm.s32 $0x2;
	s26 =	sshrl.u32 s25, $0x1;
	s10 =	smul.u32 $0xD000, s9  }
0xd: {  	s12 =	sadd.s32 $0x4000, s1;
	s13 =	sadd.s32 $0x8000, s1;
	s0 =	ssub.s32 s25, s26  }
0xe: {  	s14 =	sadd.s32 $0xC000, s1;
	s15 =	sor.u32 s4, s30;
	s0 =	smax.u32 s0, $0x1  }
0xf: {  	s25 =	sor.u32 $0x1C03, s31;
	s26 =	simm.s32 $0x10;
	[dreg:$0x4] =	wrdreg s0  }
.LBB2_1:
0x10: {  	s0 =	rddreg [dreg:$0x0];
	s3 =	simm.s32 $0x0  }
0x11: {  	[tilespmem:s16], [sflag:$0x4] =	stream.linear.gather [hbm4b:s0+s3], $0x4000, $0x38;
	[tilespmem:$0x17408] =	vst v63  }
0x12: {  	_ =	swait.ge [sflag:s17], $0x4000  }
0x13: {  	[sflag:s17] =	ssyncset.done $0x0  }
0x14: {  	s30 =	smov.u32 s15;
	s31 =	simm.s32 $0x0;
	[sflag:s17] =	ssyncadd.s32 $0xFFFFC000  }
.LBB2_2:
0x15: {  	p0 =	seq.s32 s31, $0x0  }
0x16: {  	s0 =	simm.s32 @!p0 $0x3  }
0x17: {  	_ =	swait.ge @!p0 [sflag:s0], $0x200  }
0x18: {  	[sflag:s0] =	ssyncset.done @!p0 $0x0  }
0x19: {  	[sflag:s0] =	ssyncadd.s32 @!p0 $0xFFFFFE00  }
0x1a: {  	_ =	swait.ge @!p0 [sflag:s0], $0x200  }
0x1b: {  	[sflag:s0] =	ssyncset.done @!p0 $0x0  }
0x1c: {  	[sflag:s0] =	ssyncadd.s32 @!p0 $0xFFFFFE00  }
0x1d: {  	_ =	swait.ge @!p0 [sflag:s0], $0x200  }
0x1e: {  	[sflag:s0] =	ssyncset.done @!p0 $0x0  }
0x1f: {  	[sflag:s0] =	ssyncadd.s32 @!p0 $0xFFFFFE00  }
0x20: {  	_ =	swait.ge @!p0 [sflag:s0], $0x200  }
0x21: {  	[sflag:s0] =	ssyncset.done @!p0 $0x0  }
0x22: {  	[sflag:s0] =	ssyncadd.s32 @!p0 $0xFFFFFE00  }
0x23: {  	_ =	swait.ge @!p0 [sflag:s0], $0x200  }
0x24: {  	[sflag:s0] =	ssyncset.done @!p0 $0x0  }
0x25: {  	[sflag:s0] =	ssyncadd.s32 @!p0 $0xFFFFFE00  }
0x26: {  	_ =	swait.ge @!p0 [sflag:s0], $0x200  }
0x27: {  	[sflag:s0] =	ssyncset.done @!p0 $0x0  }
0x28: {  	[sflag:s0] =	ssyncadd.s32 @!p0 $0xFFFFFE00  }
0x29: {  	_ =	swait.ge @!p0 [sflag:s0], $0x200  }
0x2a: {  	[sflag:s0] =	ssyncset.done @!p0 $0x0  }
0x2b: {  	[sflag:s0] =	ssyncadd.s32 @!p0 $0xFFFFFE00  }
0x2c: {  	_ =	swait.ge @!p0 [sflag:s0], $0x200  }
0x2d: {  	[sflag:s0] =	ssyncset.done @!p0 $0x0  }
0x2e: {  	[sflag:s0] =	ssyncadd.s32 @!p0 $0xFFFFFE00  }
0x2f: {  	_ =	swait.ge @!p0 [sflag:s0], $0x200  }
0x30: {  	[sflag:s0] =	ssyncset.done @!p0 $0x0  }
0x31: {  	[sflag:s0] =	ssyncadd.s32 @!p0 $0xFFFFFE00  }
0x32: {  	_ =	swait.ge @!p0 [sflag:s0], $0x200  }
0x33: {  	[sflag:s0] =	ssyncset.done @!p0 $0x0  }
0x34: {  	[sflag:s0] =	ssyncadd.s32 @!p0 $0xFFFFFE00  }
0x35: {  	_ =	swait.ge @!p0 [sflag:s0], $0x200  }
0x36: {  	[sflag:s0] =	ssyncset.done @!p0 $0x0  }
0x37: {  	[sflag:s0] =	ssyncadd.s32 @!p0 $0xFFFFFE00  }
0x38: {  	_ =	swait.ge @!p0 [sflag:s0], $0x200  }
0x39: {  	[sflag:s0] =	ssyncset.done @!p0 $0x0  }
0x3a: {  	[sflag:s0] =	ssyncadd.s32 @!p0 $0xFFFFFE00  }
0x3b: {  	_ =	swait.ge @!p0 [sflag:s0], $0x200  }
0x3c: {  	[sflag:s0] =	ssyncset.done @!p0 $0x0  }
0x3d: {  	[sflag:s0] =	ssyncadd.s32 @!p0 $0xFFFFFE00  }
0x3e: {  	_ =	swait.ge @!p0 [sflag:s0], $0x200  }
0x3f: {  	[sflag:s0] =	ssyncset.done @!p0 $0x0  }
0x40: {  	[sflag:s0] =	ssyncadd.s32 @!p0 $0xFFFFFE00  }
0x41: {  	_ =	swait.ge @!p0 [sflag:s0], $0x200  }
0x42: {  	[sflag:s0] =	ssyncset.done @!p0 $0x0  }
0x43: {  	[sflag:s0] =	ssyncadd.s32 @!p0 $0xFFFFFE00  }
0x44: {  	_ =	swait.ge @!p0 [sflag:s0], $0x200  }
0x45: {  	[sflag:s0] =	ssyncset.done @!p0 $0x0  }
0x46: {  	[sflag:s0] =	ssyncadd.s32 @!p0 $0xFFFFFE00  }
0x47: {  	[spmem:s1] =	stream.linear.scatter [tilespmem:s16], [sflag:$0x1], $0x4000, $0x38;
	[tilespmem:$0x17408] =	vst v63  }
0x48: {  	s9 =	sshll.u32 s31, $0x7  }
0x49: {  	[spmem:s12] =	stream.linear.scatter [tilespmem:s16], [sflag:$0x1], $0x4000, $0x38;
	[tilespmem:$0x17408] =	vst v63  }
0x4a: {  	s0 =	sadd.s32 s10, s9  }
0x4b: {  	[spmem:s13] =	stream.linear.scatter [tilespmem:s16], [sflag:$0x1], $0x4000, $0x38;
	[tilespmem:$0x17408] =	vst v63  }
0x4c: {  	s0 =	sshrl.u32 s0, $0x3  }
0x4d: {  	[spmem:s14] =	stream.linear.scatter [tilespmem:s16], [sflag:$0x1], $0x4000, $0x38;
	[tilespmem:$0x17408] =	vst v63  }
0x4e: {  	s4 =	smul.u32 $0x1990, s31;
	s0 =	sadd.s32 s6, s0  }
0x4f: {  	[tilespmem:s20], [sflag:$0x4] =	stream.strided.gather [hbm4b:s0+s18], $0x1A00, s19, s18, $0x38;
	[tilespmem:$0x17408] =	vst v63  }
0x50: {  	s11 =	sadd.s32 s8, s4;
	_ =	swait.ge [sflag:s17], $0x1A00  }
0x51: {  	s0 =	sshrl.u32 s11, $0x3;
	[sflag:s17] =	ssyncset.done $0x0  }
0x52: {  	s3 =	simm.s32 $0x0;
	s0 =	sadd.s32 s5, s0;
	[sflag:s17] =	ssyncadd.s32 $0xFFFFE600  }
0x53: {  	[tilespmem:s21], [sflag:$0x4] =	stream.linear.gather [hbm4b:s0+s3], $0x1A00, $0x38;
	[tilespmem:$0x17408] =	vst v63  }
0x54: {  	_ =	swait.ge [sflag:s17], $0x1A00  }
0x55: {  	[sflag:s17] =	ssyncset.done $0x0  }
0x56: {  	[sflag:s17] =	ssyncadd.s32 $0xFFFFE600  }
0x57: {  	_ =	swait.ge [sflag:s22], $0x4000  }
0x58: {  	[sflag:s22] =	ssyncset.done $0x0  }
0x59: {  	[sflag:s22] =	ssyncadd.s32 $0xFFFFC000  }
0x5a: {  	_ =	swait.ge [sflag:s22], $0x4000  }
0x5b: {  	[sflag:s22] =	ssyncset.done $0x0  }
0x5c: {  	[sflag:s22] =	ssyncadd.s32 $0xFFFFC000  }
0x5d: {  	_ =	swait.ge [sflag:s22], $0x4000  }
0x5e: {  	[sflag:s22] =	ssyncset.done $0x0  }
0x5f: {  	[sflag:s22] =	ssyncadd.s32 $0xFFFFC000  }
0x60: {  	_ =	swait.ge [sflag:s22], $0x4000  }
0x61: {  	[sflag:s22] =	ssyncset.done $0x0  }
0x62: {  	[sflag:s22] =	ssyncadd.s32 $0xFFFFC000  }
0x63: {  	[spmem:s2] =	stream.indirect.scatter.add.f32 [tilespmem:s21], [sflag:$0x2], $0x1, s20, s23, $0xb8;
	[tilespmem:$0x17408] =	vst v63  }
0x64: {  	s4 =	sand.u32 $0x70, s3;
	_ =	swait.ge [sflag:s24], $0x1A00  }
0x65: {  	s9 =	sand.u32 $0xFFFF000, s30;
	s0 =	sadd.s32 s7, s4;
	[sflag:s24] =	ssyncset.done $0x0  }
0x66: {  	s11 =	sshrl.u32 s1, $0x3;
	s0 =	sadd.s32 s9, s0;
	[sflag:s24] =	ssyncadd.s32 $0xFFFFE600  }
0x67: {  	[hbm:s0@s18], [sflag:s25] =	dma.strided [spmem:s11@s26], $0x200, s22, $0x10   }
0x68: {  	s4 =	sadd.s32 $0x200, s30;
	s9 =	smov.u32 s1;
	s0 =	simm.s32 $0x10  }
.LBB2_3:
0x69: {  	s3 =	sand.u32 $0x70, s0  }
0x6a: {  	p0 =	sne.s32 s0, $0xF0;
	s0 =	sadd.s32 $0x10, s0;
	s11 =	sand.u32 $0xFFFF000, s4  }
.Ltmp0:
0x6b: {  	s9 =	sadd.s32 $0x1000, s9;
	s3 =	sadd.s32 s7, s3;
	(pc) =	sbr.rel @p0 .LBB2_3-.Ltmp0, $4  }
0x6c: {  	s3 =	sadd.s32 s11, s3;
	s11 =	sshrl.u32 s9, $0x3  }
0x6d: {  	[hbm:s3@s18], [sflag:s25] =	dma.strided [spmem:s11@s26], $0x200, s22, $0x10   }
0x6e: {  	_ = 	snop  }
0x6f: {  	s4 =	sadd.s32 $0x200, s4  }
0x70: {  	s31 =	sadd.s32 $0x1, s31  }
0x71: {  	p0 =	sne.s32 s31, $0x8  }
.Ltmp1:
0x72: {  	_ = 	snop;
	(pc) =	sbr.rel @p0 .LBB2_2-.Ltmp1, $2  }
0x73: {  	_ =	sdelay $0x2  }
0x74: {  	s30 =	sadd.s32 $0x2000, s30  }
0x75: {  	_ =	swait.ge [sflag:s28], $0x200  }
0x76: {  	[sflag:s28] =	ssyncset.done $0x0  }
0x77: {  	[sflag:s28] =	ssyncadd.s32 $0xFFFFFE00  }
0x78: {  	_ =	swait.ge [sflag:s28], $0x200  }
0x79: {  	[sflag:s28] =	ssyncset.done $0x0  }
0x7a: {  	[sflag:s28] =	ssyncadd.s32 $0xFFFFFE00  }
0x7b: {  	_ =	swait.ge [sflag:s28], $0x200  }
0x7c: {  	[sflag:s28] =	ssyncset.done $0x0  }
0x7d: {  	[sflag:s28] =	ssyncadd.s32 $0xFFFFFE00  }
0x7e: {  	_ =	swait.ge [sflag:s28], $0x200  }
0x7f: {  	[sflag:s28] =	ssyncset.done $0x0  }
0x80: {  	[sflag:s28] =	ssyncadd.s32 $0xFFFFFE00  }
0x81: {  	_ =	swait.ge [sflag:s28], $0x200  }
0x82: {  	[sflag:s28] =	ssyncset.done $0x0  }
0x83: {  	[sflag:s28] =	ssyncadd.s32 $0xFFFFFE00  }
0x84: {  	_ =	swait.ge [sflag:s28], $0x200  }
0x85: {  	[sflag:s28] =	ssyncset.done $0x0  }
0x86: {  	[sflag:s28] =	ssyncadd.s32 $0xFFFFFE00  }
0x87: {  	_ =	swait.ge [sflag:s28], $0x200  }
0x88: {  	[sflag:s28] =	ssyncset.done $0x0  }
0x89: {  	[sflag:s28] =	ssyncadd.s32 $0xFFFFFE00  }
0x8a: {  	_ =	swait.ge [sflag:s28], $0x200  }
0x8b: {  	[sflag:s28] =	ssyncset.done $0x0  }
0x8c: {  	[sflag:s28] =	ssyncadd.s32 $0xFFFFFE00  }
0x8d: {  	_ =	swait.ge [sflag:s28], $0x200  }
0x8e: {  	[sflag:s28] =	ssyncset.done $0x0  }
0x8f: {  	[sflag:s28] =	ssyncadd.s32 $0xFFFFFE00  }
0x90: {  	_ =	swait.ge [sflag:s28], $0x200  }
0x91: {  	[sflag:s28] =	ssyncset.done $0x0  }
0x92: {  	[sflag:s28] =	ssyncadd.s32 $0xFFFFFE00  }
0x93: {  	_ =	swait.ge [sflag:s28], $0x200  }
0x94: {  	[sflag:s28] =	ssyncset.done $0x0  }
0x95: {  	[sflag:s28] =	ssyncadd.s32 $0xFFFFFE00  }
0x96: {  	_ =	swait.ge [sflag:s28], $0x200  }
0x97: {  	[sflag:s28] =	ssyncset.done $0x0  }
0x98: {  	[sflag:s28] =	ssyncadd.s32 $0xFFFFFE00  }
0x99: {  	_ =	swait.ge [sflag:s28], $0x200  }
0x9a: {  	[sflag:s28] =	ssyncset.done $0x0  }
0x9b: {  	[sflag:s28] =	ssyncadd.s32 $0xFFFFFE00  }
0x9c: {  	_ =	swait.ge [sflag:s28], $0x200  }
0x9d: {  	[sflag:s28] =	ssyncset.done $0x0  }
0x9e: {  	[sflag:s28] =	ssyncadd.s32 $0xFFFFFE00  }
0x9f: {  	_ =	swait.ge [sflag:s28], $0x200  }
0xa0: {  	[sflag:s28] =	ssyncset.done $0x0  }
0xa1: {  	[sflag:s28] =	ssyncadd.s32 $0xFFFFFE00  }
0xa2: {  	_ =	swait.ge [sflag:s28], $0x200  }
0xa3: {  	s29 =	sadd.s32 $0x1, s29;
	s0 =	rddreg [dreg:$0x4]  }
0xa4: {  	p0 =	sne.s32 s29, s0  }
.Ltmp2:
0xa5: {  	_ = 	snop;
	(pc) =	sbr.rel @p0 .LBB2_1-.Ltmp2, $3  }
0xa6: {  	_ =	sdelay $0x1  }
0xa7: {  	[sflag:s28] =	ssyncset.done $0x0  }
0xa8: {  	[sflag:s28] =	ssyncadd.s32 $0xFFFFFE00  }
0xa9: {  	_ =	sfence.sel $0x180000  }
0xaa: {  	[bflag:$0x0] =	sbarrier.arrive $0xFFFF  }
0xab: {  	_ =	strace $0x90000047  }
0xac: {  	s0 =	stileid.u32;
	[bflag:$0x2] =	sbarrier.arrive $0xFFFF  }
0xad: {  	p0 =	sne.s32 s0, $0x0;
	s0 =	rddreg [dreg:$0x3]  }
0xae: {  	s0 =	sadd.s32 @!p0 $0x100000, s0  }
0xaf: {  	[sflag:s0] =	ssyncadd.tile.s32 @!p0 $0x1;
	_ =	shalt  }
.Lfunc_end2:
_tile_overlayer_lowered:
.L_overlay_start_2:
0xb0: {  	(tag) =	ssettag $0x2  }
0xb1: {  	s0 =	rddreg [dreg:$0x0];
	s2 =	stileid.u32  }
0xb2: {  	s1 =	rddreg [dreg:$0x1];
	p0 =	sne.s32 s2, $0x0  }
0xb3: {  	s3 =	rddreg [dreg:$0x2];
	[bflag:$0x3] =	sbarrier.arrive $0xFFFF;
	s2 =	simm.s32 @!p0 $0x1C04  }
0xb4: {  	[timem:s3], [sflag:s2] =	dma.local @!p0 [hbm:s0], s1  }
0xb5: {  	s0 =	simm.s32 @!p0 $0x4  }
0xb6: {  	_ =	swait.ge @!p0 [sflag:s0], s1  }
0xb7: {  	s1 =	ssub.s32 @!p0 $0x0, s1;
	[sflag:s0] =	ssyncset.done @!p0 $0x0  }
0xb8: {  	[sflag:s0] =	ssyncadd.s32 @!p0 s1  }
0xb9: {  	[bflag:$0x3] =	sbarrier.arrive $0xFFFF  }
0xba: {  	_ =	shalt  }

</sc_bundles>
